<compile_context>
chip_gen: v7x
topology: tpu7x:2x2x1
jax: 0.10.2.dev20260603
libtpu: 0.0.44.dev20260713+nightly
codegen_flags: <defaults>
</compile_context>

<pallas_src>
import functools

import jax
import jax.numpy as jnp
from jax import lax
from jax.experimental import pallas as pl
from jax.experimental.pallas import tpu as pltpu
from jax.experimental.pallas import tpu_sc as plsc

OLD_VOCAB = 100000
NEW_VOCAB = 1000
DIM = 64
PDIM = 128
BATCH = 4096
SEQ = 200

TOK = BATCH * SEQ
NUM_CORES = 2
NUM_SUBCORES = 16
NW = NUM_CORES * NUM_SUBCORES
PER_W = TOK // NW
CHUNK = 640
NCHUNK = PER_W // CHUNK
NPAIR = NCHUNK // 2

_mesh = plsc.VectorSubcoreMesh(core_axis_name="c", subcore_axis_name="s")


@functools.partial(
    pl.kernel,
    mesh=_mesh,
    out_type=jax.ShapeDtypeStruct((TOK, PDIM), jnp.float32),
    scratch_types=[
        pltpu.VMEM((PER_W,), jnp.int32),
        pltpu.VMEM((CHUNK, DIM), jnp.float32),
        pltpu.VMEM((CHUNK, DIM), jnp.float32),
        pltpu.SemaphoreType.DMA,
        pltpu.SemaphoreType.DMA,
        pltpu.SemaphoreType.DMA,
        pltpu.SemaphoreType.DMA,
    ],
    compiler_params=pltpu.CompilerParams(use_tc_tiling_on_sc=False),
)
def _gather_kernel(ids_hbm, table_hbm, out_hbm, idx_all, rows0, rows1,
                   sg0, sg1, ss0, ss1):
    wid = lax.axis_index("s") * NUM_CORES + lax.axis_index("c")
    base = wid * PER_W

    pltpu.sync_copy(ids_hbm.at[pl.ds(base, PER_W)], idx_all)

    rows = (rows0, rows1)
    sg = (sg0, sg1)
    ss = (ss0, ss1)

    def g_desc(c, b):
        return pltpu.make_async_copy(
            table_hbm.at[idx_all.at[pl.ds(c * CHUNK, CHUNK)]], rows[b], sg[b])

    def s_desc(c, b):
        return pltpu.make_async_copy(
            rows[b],
            out_hbm.at[pl.ds(base + c * CHUNK, CHUNK), pl.ds(0, DIM)], ss[b])

    def start_g(c, b):
        g_desc(c, b).start()

    def start_s(c, b):
        s_desc(c, b).start()

    def wait_g(b):
        g_desc(0, b).wait()

    def wait_s(b):
        s_desc(0, b).wait()

    start_g(0, 0)
    wait_g(0)
    start_s(0, 0)
    start_g(1, 1)

    def body(j, carry):
        wait_g(1)
        start_s(2 * j - 1, 1)
        wait_s(0)
        start_g(2 * j, 0)
        wait_g(0)
        start_s(2 * j, 0)
        wait_s(1)
        start_g(2 * j + 1, 1)
        return carry

    lax.fori_loop(1, NPAIR, body, 0)

    wait_g(1)
    start_s(NCHUNK - 1, 1)
    wait_s(0)
    wait_s(1)


def kernel(input_ids, old_table, new_table):
    table = jnp.concatenate([old_table, new_table], axis=0)
    ids = input_ids.reshape(-1).astype(jnp.int32)
    out = _gather_kernel(ids, table)
    return out.reshape(BATCH, SEQ, PDIM)[:, :, :DIM]

# --- scband reference (transcript-rebuilt; emitter-appended) ---
"""Pipeline reference for scband-custom-embedding-layer-16432544875019 (READ-ONLY COPY).

The authoritative reference and input builder live on the scoring server;
editing this copy changes nothing except your own understanding.
"""

import jax, jax.numpy as jnp
import numpy as np

OLD_VOCAB = 100000
NEW_VOCAB = 1000
DIM = 64
BATCH = 4096
SEQ = 200


def setup_inputs(seed: int = 0) -> dict:
    key = jax.random.key(seed)
    k1, k2, k3 = jax.random.split(key, 3)
    input_ids = jax.random.randint(k1, (BATCH, SEQ), 0, OLD_VOCAB + NEW_VOCAB)
    old_table = jax.random.normal(k2, (OLD_VOCAB, DIM), dtype=jnp.float32) * 0.02
    new_table = jax.random.normal(k3, (NEW_VOCAB, DIM), dtype=jnp.float32) * 0.02
    return {"input_ids": input_ids, "old_table": old_table, "new_table": new_table}


def reference(input_ids, old_table, new_table):
    # Faithful translation of CustomEmbeddingLayer.forward:
    # tokens with id < OLD_VOCAB are looked up in the (frozen) old table,
    # all other tokens are looked up in the new table at id - OLD_VOCAB.
    is_old = input_ids < OLD_VOCAB
    safe_old_ids = jnp.where(is_old, input_ids, 0)
    safe_new_ids = jnp.where(is_old, 0, input_ids - OLD_VOCAB)
    old_emb = jnp.take(old_table, safe_old_ids, axis=0)
    new_emb = jnp.take(new_table, safe_new_ids, axis=0)
    output_embeds = jnp.where(is_old[..., None], old_emb, new_emb)
    return output_embeds

if __name__ == "__main__":
    import jax
    _d = setup_inputs()
    print(jax.jit(kernel)(*tuple(_d.values())))

</pallas_src>

<mosaic_0001>
#map = affine_map<(d0, d1) -> (0)>
#map1 = affine_map<(d0, d1) -> (0, 0)>
module attributes {stable_mosaic.version = 14 : i64} {
  func.func @_gather_kernel(%arg0: i32, %arg1: i32, %arg2: memref<819200xi32, #tpu.memory_space<hbm>>, %arg3: memref<101000x64xf32, #tpu.memory_space<hbm>>, %arg4: memref<819200x128xf32, #tpu.memory_space<hbm>>, %arg5: memref<25600xi32, #tpu.memory_space<vmem>>, %arg6: memref<640x64xf32, #tpu.memory_space<vmem>>, %arg7: memref<640x64xf32, #tpu.memory_space<vmem>>, %arg8: memref<!tpu.dma_semaphore, #tpu.memory_space<semaphore_mem>>, %arg9: memref<!tpu.dma_semaphore, #tpu.memory_space<semaphore_mem>>, %arg10: memref<!tpu.dma_semaphore, #tpu.memory_space<semaphore_mem>>, %arg11: memref<!tpu.dma_semaphore, #tpu.memory_space<semaphore_mem>>) attributes {dimension_semantics = [#tpu.dimension_semantics<core_parallel>, #tpu.dimension_semantics<subcore_parallel>], iteration_bounds = array<i64: 2, 16>, scalar_prefetch = 0 : i64, scratch_operands = 7 : i64, tpu.core_type = #tpu.core_type<sc_vector_subcore>, window_params = [{transform_indices = #map}, {transform_indices = #map1}, {transform_indices = #map1}]} {
    %mul3A = arith.constant 2 : i32
    %mul3A_0 = arith.muli %arg1, %mul3A : i32
    %add3A = arith.addi %mul3A_0, %arg0 : i32
    %mul3A_1 = arith.constant 25600 : i32
    %mul3A_2 = arith.muli %add3A, %mul3A_1 : i32
    "tpu.region"() ({
      %run_scoped3A = tpu.sem_alloc : memref<!tpu.dma_semaphore, #tpu.memory_space<semaphore_mem>>
      %dma_start3A_50 = tpu.memref_slice %arg2[%mul3A_2] : memref<819200xi32, #tpu.memory_space<hbm>> -> memref<25600xi32, #tpu.memory_space<hbm>>
      %dma_start3A_51 = tpu.memref_slice %arg2[%mul3A_2] : memref<819200xi32, #tpu.memory_space<hbm>> -> memref<25600xi32, #tpu.memory_space<hbm>>
      tpu.enqueue_dma source(%dma_start3A_51 : memref<25600xi32, #tpu.memory_space<hbm>>) target(%arg5 : memref<25600xi32, #tpu.memory_space<vmem>>) target_semaphore(%run_scoped3A : memref<!tpu.dma_semaphore, #tpu.memory_space<semaphore_mem>>)
      %dma_wait3A_52 = tpu.memref_slice %arg2[%mul3A_2] : memref<819200xi32, #tpu.memory_space<hbm>> -> memref<25600xi32, #tpu.memory_space<hbm>>
      %dma_wait3A_53 = tpu.memref_slice %arg2[%mul3A_2] : memref<819200xi32, #tpu.memory_space<hbm>> -> memref<25600xi32, #tpu.memory_space<hbm>>
      tpu.wait_dma2 semaphore(%run_scoped3A : memref<!tpu.dma_semaphore, #tpu.memory_space<semaphore_mem>>) src(%dma_wait3A_53 : memref<25600xi32, #tpu.memory_space<hbm>>) dst(%arg5 : memref<25600xi32, #tpu.memory_space<vmem>>)
      tpu.yield
    }) : () -> ()
    %dma_start3A = arith.constant 0 : i32
    %dma_start3A_3 = tpu.memref_slice %arg5[%dma_start3A] : memref<25600xi32, #tpu.memory_space<vmem>> -> memref<640xi32, #tpu.memory_space<vmem>>
    %dma_start3A_4 = arith.constant 0 : i32
    %dma_start3A_5 = arith.constant 0 : i32
    %dma_start3A_6 = tpu.memref_slice %arg3[%dma_start3A_4, %dma_start3A_5] : memref<101000x64xf32, #tpu.memory_space<hbm>> -> memref<101000x64xf32, #tpu.memory_space<hbm>>
    tpu.enqueue_indirect_dma source(%dma_start3A_6 : memref<101000x64xf32, #tpu.memory_space<hbm>>) target(%arg6 : memref<640x64xf32, #tpu.memory_space<vmem>>) offsets(%dma_start3A_3 : memref<640xi32, #tpu.memory_space<vmem>>) semaphore(%arg8 : memref<!tpu.dma_semaphore, #tpu.memory_space<semaphore_mem>>)
    %dma_wait3A = arith.constant 0 : i32
    %dma_wait3A_7 = tpu.memref_slice %arg5[%dma_wait3A] : memref<25600xi32, #tpu.memory_space<vmem>> -> memref<640xi32, #tpu.memory_space<vmem>>
    %dma_wait3A_8 = arith.constant 0 : i32
    %dma_wait3A_9 = arith.constant 0 : i32
    %dma_wait3A_10 = tpu.memref_slice %arg3[%dma_wait3A_8, %dma_wait3A_9] : memref<101000x64xf32, #tpu.memory_space<hbm>> -> memref<101000x64xf32, #tpu.memory_space<hbm>>
    tpu.wait_indirect_dma semaphore(%arg8 : memref<!tpu.dma_semaphore, #tpu.memory_space<semaphore_mem>>) src(%dma_wait3A_10 : memref<101000x64xf32, #tpu.memory_space<hbm>>) dst(%arg6 : memref<640x64xf32, #tpu.memory_space<vmem>>)
    %add3A_11 = arith.constant 0 : i32
    %add3A_12 = arith.addi %mul3A_2, %add3A_11 : i32
    %dma_start3A_13 = arith.constant 0 : i32
    %dma_start3A_14 = tpu.memref_slice %arg4[%add3A_12, %dma_start3A_13] : memref<819200x128xf32, #tpu.memory_space<hbm>> -> memref<640x64xf32, #tpu.memory_space<hbm>>
    %dma_start3A_15 = arith.constant 0 : i32
    %dma_start3A_16 = tpu.memref_slice %arg4[%add3A_12, %dma_start3A_15] : memref<819200x128xf32, #tpu.memory_space<hbm>> -> memref<640x64xf32, #tpu.memory_space<hbm>>
    tpu.enqueue_dma source(%arg6 : memref<640x64xf32, #tpu.memory_space<vmem>>) target(%dma_start3A_16 : memref<640x64xf32, #tpu.memory_space<hbm>>) target_semaphore(%arg10 : memref<!tpu.dma_semaphore, #tpu.memory_space<semaphore_mem>>)
    %dma_start3A_17 = arith.constant 640 : i32
    %dma_start3A_18 = tpu.memref_slice %arg5[%dma_start3A_17] : memref<25600xi32, #tpu.memory_space<vmem>> -> memref<640xi32, #tpu.memory_space<vmem>>
    %dma_start3A_19 = arith.constant 0 : i32
    %dma_start3A_20 = arith.constant 0 : i32
    %dma_start3A_21 = tpu.memref_slice %arg3[%dma_start3A_19, %dma_start3A_20] : memref<101000x64xf32, #tpu.memory_space<hbm>> -> memref<101000x64xf32, #tpu.memory_space<hbm>>
    tpu.enqueue_indirect_dma source(%dma_start3A_21 : memref<101000x64xf32, #tpu.memory_space<hbm>>) target(%arg7 : memref<640x64xf32, #tpu.memory_space<vmem>>) offsets(%dma_start3A_18 : memref<640xi32, #tpu.memory_space<vmem>>) semaphore(%arg9 : memref<!tpu.dma_semaphore, #tpu.memory_space<semaphore_mem>>)
    %scan3A = arith.constant 0 : i32
    %scan3A_22 = arith.constant 1 : i32
    %scan3A_23 = arith.constant 19 : i32
    %scan3A_24 = arith.addi %scan3A_22, %scan3A_23 : i32
    %scan3A_25 = arith.constant 1 : i32
    scf.for %scan3A_50 = %scan3A_22 to %scan3A_24 step %scan3A_25  : i32 {
      %dma_wait3A_51 = arith.constant 0 : i32
      %dma_wait3A_52 = tpu.memref_slice %arg5[%dma_wait3A_51] : memref<25600xi32, #tpu.memory_space<vmem>> -> memref<640xi32, #tpu.memory_space<vmem>>
      %dma_wait3A_53 = arith.constant 0 : i32
      %dma_wait3A_54 = arith.constant 0 : i32
      %dma_wait3A_55 = tpu.memref_slice %arg3[%dma_wait3A_53, %dma_wait3A_54] : memref<101000x64xf32, #tpu.memory_space<hbm>> -> memref<101000x64xf32, #tpu.memory_space<hbm>>
      tpu.wait_indirect_dma semaphore(%arg9 : memref<!tpu.dma_semaphore, #tpu.memory_space<semaphore_mem>>) src(%dma_wait3A_55 : memref<101000x64xf32, #tpu.memory_space<hbm>>) dst(%arg7 : memref<640x64xf32, #tpu.memory_space<vmem>>)
      %mul3A_56 = arith.constant 2 : i32
      %mul3A_57 = arith.muli %mul3A_56, %scan3A_50 : i32
      %sub3A = arith.constant 1 : i32
      %sub3A_58 = arith.subi %mul3A_57, %sub3A : i32
      %mul3A_59 = arith.constant 640 : i32
      %mul3A_60 = arith.muli %sub3A_58, %mul3A_59 : i32
      %add3A_61 = arith.addi %mul3A_2, %mul3A_60 : i32
      %dma_start3A_62 = arith.constant 0 : i32
      %dma_start3A_63 = tpu.memref_slice %arg4[%add3A_61, %dma_start3A_62] : memref<819200x128xf32, #tpu.memory_space<hbm>> -> memref<640x64xf32, #tpu.memory_space<hbm>>
      %dma_start3A_64 = arith.constant 0 : i32
      %dma_start3A_65 = tpu.memref_slice %arg4[%add3A_61, %dma_start3A_64] : memref<819200x128xf32, #tpu.memory_space<hbm>> -> memref<640x64xf32, #tpu.memory_space<hbm>>
      tpu.enqueue_dma source(%arg7 : memref<640x64xf32, #tpu.memory_space<vmem>>) target(%dma_start3A_65 : memref<640x64xf32, #tpu.memory_space<hbm>>) target_semaphore(%arg11 : memref<!tpu.dma_semaphore, #tpu.memory_space<semaphore_mem>>)
      %add3A_66 = arith.constant 0 : i32
      %add3A_67 = arith.addi %mul3A_2, %add3A_66 : i32
      %dma_wait3A_68 = arith.constant 0 : i32
      %dma_wait3A_69 = tpu.memref_slice %arg4[%add3A_67, %dma_wait3A_68] : memref<819200x128xf32, #tpu.memory_space<hbm>> -> memref<640x64xf32, #tpu.memory_space<hbm>>
      %dma_wait3A_70 = arith.constant 0 : i32
      %dma_wait3A_71 = tpu.memref_slice %arg4[%add3A_67, %dma_wait3A_70] : memref<819200x128xf32, #tpu.memory_space<hbm>> -> memref<640x64xf32, #tpu.memory_space<hbm>>
      tpu.wait_dma2 semaphore(%arg10 : memref<!tpu.dma_semaphore, #tpu.memory_space<semaphore_mem>>) src(%arg6 : memref<640x64xf32, #tpu.memory_space<vmem>>) dst(%dma_wait3A_71 : memref<640x64xf32, #tpu.memory_space<hbm>>)
      %mul3A_72 = arith.constant 2 : i32
      %mul3A_73 = arith.muli %mul3A_72, %scan3A_50 : i32
      %mul3A_74 = arith.constant 640 : i32
      %mul3A_75 = arith.muli %mul3A_73, %mul3A_74 : i32
      %dma_start3A_76 = tpu.memref_slice %arg5[%mul3A_75] : memref<25600xi32, #tpu.memory_space<vmem>> -> memref<640xi32, #tpu.memory_space<vmem>>
      %dma_start3A_77 = arith.constant 0 : i32
      %dma_start3A_78 = arith.constant 0 : i32
      %dma_start3A_79 = tpu.memref_slice %arg3[%dma_start3A_77, %dma_start3A_78] : memref<101000x64xf32, #tpu.memory_space<hbm>> -> memref<101000x64xf32, #tpu.memory_space<hbm>>
      tpu.enqueue_indirect_dma source(%dma_start3A_79 : memref<101000x64xf32, #tpu.memory_space<hbm>>) target(%arg6 : memref<640x64xf32, #tpu.memory_space<vmem>>) offsets(%dma_start3A_76 : memref<640xi32, #tpu.memory_space<vmem>>) semaphore(%arg8 : memref<!tpu.dma_semaphore, #tpu.memory_space<semaphore_mem>>)
      %dma_wait3A_80 = arith.constant 0 : i32
      %dma_wait3A_81 = tpu.memref_slice %arg5[%dma_wait3A_80] : memref<25600xi32, #tpu.memory_space<vmem>> -> memref<640xi32, #tpu.memory_space<vmem>>
      %dma_wait3A_82 = arith.constant 0 : i32
      %dma_wait3A_83 = arith.constant 0 : i32
      %dma_wait3A_84 = tpu.memref_slice %arg3[%dma_wait3A_82, %dma_wait3A_83] : memref<101000x64xf32, #tpu.memory_space<hbm>> -> memref<101000x64xf32, #tpu.memory_space<hbm>>
      tpu.wait_indirect_dma semaphore(%arg8 : memref<!tpu.dma_semaphore, #tpu.memory_space<semaphore_mem>>) src(%dma_wait3A_84 : memref<101000x64xf32, #tpu.memory_space<hbm>>) dst(%arg6 : memref<640x64xf32, #tpu.memory_space<vmem>>)
      %mul3A_85 = arith.constant 2 : i32
      %mul3A_86 = arith.muli %mul3A_85, %scan3A_50 : i32
      %mul3A_87 = arith.constant 640 : i32
      %mul3A_88 = arith.muli %mul3A_86, %mul3A_87 : i32
      %add3A_89 = arith.addi %mul3A_2, %mul3A_88 : i32
      %dma_start3A_90 = arith.constant 0 : i32
      %dma_start3A_91 = tpu.memref_slice %arg4[%add3A_89, %dma_start3A_90] : memref<819200x128xf32, #tpu.memory_space<hbm>> -> memref<640x64xf32, #tpu.memory_space<hbm>>
      %dma_start3A_92 = arith.constant 0 : i32
      %dma_start3A_93 = tpu.memref_slice %arg4[%add3A_89, %dma_start3A_92] : memref<819200x128xf32, #tpu.memory_space<hbm>> -> memref<640x64xf32, #tpu.memory_space<hbm>>
      tpu.enqueue_dma source(%arg6 : memref<640x64xf32, #tpu.memory_space<vmem>>) target(%dma_start3A_93 : memref<640x64xf32, #tpu.memory_space<hbm>>) target_semaphore(%arg10 : memref<!tpu.dma_semaphore, #tpu.memory_space<semaphore_mem>>)
      %add3A_94 = arith.constant 0 : i32
      %add3A_95 = arith.addi %mul3A_2, %add3A_94 : i32
      %dma_wait3A_96 = arith.constant 0 : i32
      %dma_wait3A_97 = tpu.memref_slice %arg4[%add3A_95, %dma_wait3A_96] : memref<819200x128xf32, #tpu.memory_space<hbm>> -> memref<640x64xf32, #tpu.memory_space<hbm>>
      %dma_wait3A_98 = arith.constant 0 : i32
      %dma_wait3A_99 = tpu.memref_slice %arg4[%add3A_95, %dma_wait3A_98] : memref<819200x128xf32, #tpu.memory_space<hbm>> -> memref<640x64xf32, #tpu.memory_space<hbm>>
      tpu.wait_dma2 semaphore(%arg11 : memref<!tpu.dma_semaphore, #tpu.memory_space<semaphore_mem>>) src(%arg7 : memref<640x64xf32, #tpu.memory_space<vmem>>) dst(%dma_wait3A_99 : memref<640x64xf32, #tpu.memory_space<hbm>>)
      %mul3A_100 = arith.constant 2 : i32
      %mul3A_101 = arith.muli %mul3A_100, %scan3A_50 : i32
      %add3A_102 = arith.constant 1 : i32
      %add3A_103 = arith.addi %mul3A_101, %add3A_102 : i32
      %mul3A_104 = arith.constant 640 : i32
      %mul3A_105 = arith.muli %add3A_103, %mul3A_104 : i32
      %dma_start3A_106 = tpu.memref_slice %arg5[%mul3A_105] : memref<25600xi32, #tpu.memory_space<vmem>> -> memref<640xi32, #tpu.memory_space<vmem>>
      %dma_start3A_107 = arith.constant 0 : i32
      %dma_start3A_108 = arith.constant 0 : i32
      %dma_start3A_109 = tpu.memref_slice %arg3[%dma_start3A_107, %dma_start3A_108] : memref<101000x64xf32, #tpu.memory_space<hbm>> -> memref<101000x64xf32, #tpu.memory_space<hbm>>
      tpu.enqueue_indirect_dma source(%dma_start3A_109 : memref<101000x64xf32, #tpu.memory_space<hbm>>) target(%arg7 : memref<640x64xf32, #tpu.memory_space<vmem>>) offsets(%dma_start3A_106 : memref<640xi32, #tpu.memory_space<vmem>>) semaphore(%arg9 : memref<!tpu.dma_semaphore, #tpu.memory_space<semaphore_mem>>)
    }
    %scan3A_26 = arith.constant 19 : i32
    %dma_wait3A_27 = arith.constant 0 : i32
    %dma_wait3A_28 = tpu.memref_slice %arg5[%dma_wait3A_27] : memref<25600xi32, #tpu.memory_space<vmem>> -> memref<640xi32, #tpu.memory_space<vmem>>
    %dma_wait3A_29 = arith.constant 0 : i32
    %dma_wait3A_30 = arith.constant 0 : i32
    %dma_wait3A_31 = tpu.memref_slice %arg3[%dma_wait3A_29, %dma_wait3A_30] : memref<101000x64xf32, #tpu.memory_space<hbm>> -> memref<101000x64xf32, #tpu.memory_space<hbm>>
    tpu.wait_indirect_dma semaphore(%arg9 : memref<!tpu.dma_semaphore, #tpu.memory_space<semaphore_mem>>) src(%dma_wait3A_31 : memref<101000x64xf32, #tpu.memory_space<hbm>>) dst(%arg7 : memref<640x64xf32, #tpu.memory_space<vmem>>)
    %add3A_32 = arith.constant 24960 : i32
    %add3A_33 = arith.addi %mul3A_2, %add3A_32 : i32
    %dma_start3A_34 = arith.constant 0 : i32
    %dma_start3A_35 = tpu.memref_slice %arg4[%add3A_33, %dma_start3A_34] : memref<819200x128xf32, #tpu.memory_space<hbm>> -> memref<640x64xf32, #tpu.memory_space<hbm>>
    %dma_start3A_36 = arith.constant 0 : i32
    %dma_start3A_37 = tpu.memref_slice %arg4[%add3A_33, %dma_start3A_36] : memref<819200x128xf32, #tpu.memory_space<hbm>> -> memref<640x64xf32, #tpu.memory_space<hbm>>
    tpu.enqueue_dma source(%arg7 : memref<640x64xf32, #tpu.memory_space<vmem>>) target(%dma_start3A_37 : memref<640x64xf32, #tpu.memory_space<hbm>>) target_semaphore(%arg11 : memref<!tpu.dma_semaphore, #tpu.memory_space<semaphore_mem>>)
    %add3A_38 = arith.constant 0 : i32
    %add3A_39 = arith.addi %mul3A_2, %add3A_38 : i32
    %dma_wait3A_40 = arith.constant 0 : i32
    %dma_wait3A_41 = tpu.memref_slice %arg4[%add3A_39, %dma_wait3A_40] : memref<819200x128xf32, #tpu.memory_space<hbm>> -> memref<640x64xf32, #tpu.memory_space<hbm>>
    %dma_wait3A_42 = arith.constant 0 : i32
    %dma_wait3A_43 = tpu.memref_slice %arg4[%add3A_39, %dma_wait3A_42] : memref<819200x128xf32, #tpu.memory_space<hbm>> -> memref<640x64xf32, #tpu.memory_space<hbm>>
    tpu.wait_dma2 semaphore(%arg10 : memref<!tpu.dma_semaphore, #tpu.memory_space<semaphore_mem>>) src(%arg6 : memref<640x64xf32, #tpu.memory_space<vmem>>) dst(%dma_wait3A_43 : memref<640x64xf32, #tpu.memory_space<hbm>>)
    %add3A_44 = arith.constant 0 : i32
    %add3A_45 = arith.addi %mul3A_2, %add3A_44 : i32
    %dma_wait3A_46 = arith.constant 0 : i32
    %dma_wait3A_47 = tpu.memref_slice %arg4[%add3A_45, %dma_wait3A_46] : memref<819200x128xf32, #tpu.memory_space<hbm>> -> memref<640x64xf32, #tpu.memory_space<hbm>>
    %dma_wait3A_48 = arith.constant 0 : i32
    %dma_wait3A_49 = tpu.memref_slice %arg4[%add3A_45, %dma_wait3A_48] : memref<819200x128xf32, #tpu.memory_space<hbm>> -> memref<640x64xf32, #tpu.memory_space<hbm>>
    tpu.wait_dma2 semaphore(%arg11 : memref<!tpu.dma_semaphore, #tpu.memory_space<semaphore_mem>>) src(%arg7 : memref<640x64xf32, #tpu.memory_space<vmem>>) dst(%dma_wait3A_49 : memref<640x64xf32, #tpu.memory_space<hbm>>)
    return
  }
}

</mosaic_0001>

<sc_bundles>
// kernel: kernel.3.cloned.1.call-start
scs
__scs_entry_jumppad:
0x0: {  	(pc) =	sbr.rel $0x88, $3  }
0x1: {  	(tag) =	ssettag $0x0;
	lr =	simm.s32 $0x1  }
0x2: {  	[smem:$0x3F9E] =	sst lr;
	_ =	strace $0xD0000000  }
0x3: {  	_ = 	snop  }
0x4: {  	_ = 	snop  }
0x5: {  	_ = 	snop  }
0x6: {  	_ = 	snop  }
0x7: {  	_ = 	snop  }
__scs_overlays_trampoline_lowered:
0x8: {  	[smem:$0x3FAD] =	sst s0  }
0x9: {  	[smem:$0x3FAE] =	sst s1  }
0xa: {  	[smem:$0x3FAF] =	sst s2  }
0xb: {  	[smem:$0x3FB0] =	sst s3  }
0xc: {  	[smem:$0x3FB1] =	sst s4  }
0xd: {  	[smem:$0x3FB2] =	sst s5  }
0xe: {  	[smem:$0x3FB3] =	sst s6  }
0xf: {  	[smem:$0x3FB4] =	sst s7  }
0x10: {  	[smem:$0x3FB5] =	sst s8  }
0x11: {  	[smem:$0x3FB6] =	sst s9;
	s0 =	simm.s32 @!p0 $0x0  }
0x12: {  	s1 =	sld [smem:$0x3F9C];
	s0 =	simm.s32 @p0 $0x1  }
0x13: {  	[smem:$0x3FB7] =	sst s0;
	s0 =	simm.s32 @!p1 $0x0  }
0x14: {  	s2 =	sld [smem:$0x3F9B];
	s0 =	simm.s32 @p1 $0x1  }
0x15: {  	[smem:$0x3FB8] =	sst s0;
	s0 =	simm.s32 @!p2 $0x0  }
0x16: {  	s3 =	sld [smem:$0x3FDB];
	s0 =	simm.s32 @p2 $0x1  }
0x17: {  	s4 =	simm.s32 $0x1BF5;
	[smem:$0x3FBA] =	sst s0  }
0x18: {  	s0 =	sld [smem:$0x3F9D];
	_ =	swait.ge [sflag:s4], $0x0  }
0x19: {  	s7 =	sld [smem:$0x3F9E]  }
0x1a: {  	s8 =	sadd.s32 $0xFFFFE003, lr  }
0x1b: {  	s9 =	sadd.s32 $0xFFFFFEF7, lr;
	s5 =	simm.s32 $0xFFFFFFFF;
	p2 =	slt.u32 s8, $0xFFFFF086  }
0x1c: {  	p1 =	slt.u32 s9, $0xF7A;
	s5 =	simm.s32 @!p2 $0x0  }
0x1d: {  	s5 =	simm.s32 @p1 $0x1;
	p0 =	seq.s32 s7, s2  }
0x1e: {  	s7 =	smul.u32 @!p0 $0xF7A, s2;
	p2 =	seq.s32 @!p0 s5, $0x0  }
0x1f: {  	s9 =	smul.u32 $0xF7A, s1;
	s8 =	simm.s32 @!p0 $0x1BF5;
	p2 =	por !p2, p0  }
0x20: {  	[sflag:s8] =	ssyncset.s32 @!p0 $0xFFFFF086;
	s6 =	sadd.s32 @!p0 s3, s7;
	s7 =	simm.s32 @!p0 $0x108  }
0x21: {  	s3 =	sadd.s32 s3, s9;
	s6 =	sadd.s32 @!p0 $0x88, s6;
	s7 =	simm.s32 @p2 $0x1082  }
0x22: {  	[simem:s7], [sflag:s8] =	dma.local @!p0 [hbm:s6], $0xF7A  }
0x23: {  	s9 =	sor.u32 $0xD0000000, s2;
	s6 =	simm.s32 $0x108;
	_ =	swait.ge @!p0 [sflag:s8], $0x0  }
0x24: {  	s3 =	sadd.s32 $0x88, s3;
	s6 =	simm.s32 @!p1 $0x1082;
	[sflag:s4] =	ssyncset.s32 $0xFFFFF086  }
0x25: {  	[simem:s6], [sflag:s4] =	dma.local [hbm:s3], $0xF7A  }
0x26: {  	[smem:$0x3F9E] =	sst s1;
	(tag) =	ssettag s2;
	_ =	strace s9  }
0x27: {  	s1 =	sld [smem:$0x3FAE]  }
0x28: {  	s2 =	sld [smem:$0x3FAF]  }
0x29: {  	s4 =	sld [smem:$0x3FB1]  }
0x2a: {  	p0 =	seq.s32 s5, $0x0;
	s5 =	sld [smem:$0x3FB2]  }
0x2b: {  	s6 =	sld [smem:$0x3FB3]  }
0x2c: {  	s7 =	sld [smem:$0x3FB4]  }
0x2d: {  	s3 =	simm.s32 $0x108;
	s8 =	sld [smem:$0x3FB5]  }
0x2e: {  	s3 =	simm.s32 @!p0 $0x1082;
	s9 =	sld [smem:$0x3FB6]  }
0x2f: {  	lr =	sadd.s32 s0, s3;
	s0 =	sld [smem:$0x3FAD]  }
0x30: {  	s3 =	sld [smem:$0x3FB0]  }
0x31: {  	[smem:$0x3FB9] =	sst s10  }
0x32: {  	s10 =	sld [smem:$0x3FB7];
	_ =	sdelay $0x3  }
0x33: {  	p0 =	seq.s32 s10, $0x1;
	s10 =	sld [smem:$0x3FB9];
	_ =	sdelay $0x3  }
0x34: {  	[smem:$0x3FB9] =	sst s10  }
0x35: {  	s10 =	sld [smem:$0x3FB8];
	_ =	sdelay $0x3  }
0x36: {  	p1 =	seq.s32 s10, $0x1;
	s10 =	sld [smem:$0x3FB9];
	_ =	sdelay $0x3  }
0x37: {  	[smem:$0x3FB9] =	sst s10  }
0x38: {  	s10 =	sld [smem:$0x3FBA]  }
0x39: {  	_ = 	snop;
	(pc) =	sbr.ind lr, $3  }
0x3a: {  	_ = 	snop  }
0x3b: {  	_ = 	snop  }
0x3c: {  	p2 =	seq.s32 s10, $0x1;
	s10 =	sld [smem:$0x3FB9]  }
0x3d: {  	_ =	shalt  }
0x3e: {  	_ =	shalt  }
0x3f: {  	_ =	shalt  }
0x40: {  	_ =	shalt  }
0x41: {  	_ =	shalt  }
0x42: {  	_ =	shalt  }
0x43: {  	_ =	shalt  }
0x44: {  	_ =	shalt  }
0x45: {  	_ =	shalt  }
0x46: {  	_ =	shalt  }
0x47: {  	_ =	shalt  }
0x48: {  	_ =	shalt  }
0x49: {  	_ =	shalt  }
0x4a: {  	_ =	shalt  }
0x4b: {  	_ =	shalt  }
0x4c: {  	_ =	shalt  }
0x4d: {  	_ =	shalt  }
0x4e: {  	_ =	shalt  }
0x4f: {  	_ =	shalt  }
0x50: {  	_ =	shalt  }
0x51: {  	_ =	shalt  }
0x52: {  	_ =	shalt  }
0x53: {  	_ =	shalt  }
0x54: {  	_ =	shalt  }
0x55: {  	_ =	shalt  }
0x56: {  	_ =	shalt  }
0x57: {  	_ =	shalt  }
0x58: {  	_ =	shalt  }
0x59: {  	_ =	shalt  }
0x5a: {  	_ =	shalt  }
0x5b: {  	_ =	shalt  }
0x5c: {  	_ =	shalt  }
0x5d: {  	_ =	shalt  }
0x5e: {  	_ =	shalt  }
0x5f: {  	_ =	shalt  }
0x60: {  	_ =	shalt  }
0x61: {  	_ =	shalt  }
0x62: {  	_ =	shalt  }
0x63: {  	_ =	shalt  }
0x64: {  	_ =	shalt  }
0x65: {  	_ =	shalt  }
0x66: {  	_ =	shalt  }
0x67: {  	_ =	shalt  }
0x68: {  	_ =	shalt  }
0x69: {  	_ =	shalt  }
0x6a: {  	_ =	shalt  }
0x6b: {  	_ =	shalt  }
0x6c: {  	_ =	shalt  }
0x6d: {  	_ =	shalt  }
0x6e: {  	_ =	shalt  }
0x6f: {  	_ =	shalt  }
0x70: {  	_ =	shalt  }
0x71: {  	_ =	shalt  }
0x72: {  	_ =	shalt  }
0x73: {  	_ =	shalt  }
0x74: {  	_ =	shalt  }
0x75: {  	_ =	shalt  }
0x76: {  	_ =	shalt  }
0x77: {  	_ =	shalt  }
0x78: {  	_ =	shalt  }
0x79: {  	_ =	shalt  }
0x7a: {  	_ =	shalt  }
0x7b: {  	_ =	shalt  }
0x7c: {  	_ =	shalt  }
0x7d: {  	_ =	shalt  }
0x7e: {  	_ =	shalt  }
0x7f: {  	_ =	shalt  }
0x80: {  	_ =	shalt  }
0x81: {  	_ =	shalt  }
0x82: {  	_ =	shalt  }
0x83: {  	_ =	shalt  }
0x84: {  	_ =	shalt  }
0x85: {  	_ =	shalt  }
0x86: {  	_ =	shalt  }
0x87: {  	_ =	shalt  }
.Lfunc_end0:
.L_simem_size_0:
called_computation.1_lowered:
.L_overlay_start_0:
0x88: {  	s2 =	sld [smem:$0x3FD9]  }
0x89: {  	s3 =	sld [smem:$0x3FFE];
	_ =	sdelay $0x1  }
0x8a: {  	s1 =	srdreg.scid  }
0x8b: {  	s0 =	sand.u32 $0x1, s1  }
0x8c: {  	s16 =	sshll.u32 s0, $0xA;
	s2 =	sadd.s32 s3, s2  }
0x8d: {  	s2 =	sadd.s32 s2, s16  }
0x8e: {  	[smem:$0x3FC5] =	sst s2  }
0x8f: {  	_ = 	snop  }
0x90: {  	(tm) =	ssettm $0x1  }
0x91: {  	s17 =	sld [smem:$0x3FFB];
	_ =	sdelay $0x3  }
0x92: {  	_ =	strace s17  }
0x93: {  	s2 =	sld [smem:$0x3FFC];
	_ =	sdelay $0x3  }
0x94: {  	_ =	strace s2  }
0x95: {  	s2 =	sld [smem:$0x3FFD];
	_ =	sdelay $0x3  }
0x96: {  	_ =	strace s2  }
0x97: {  	_ =	strace $0x8FFFFFFF  }
0x98: {  	s18 =	sld [smem:$0x3FDB];
	_ =	sdelay $0x1  }
0x99: {  	s19 =	simm.s32 $_scs_section_size  }
0x9a: {  	s4 =	simm.s32 $_size__tile_overlayer_lowered;
	s5 =	simm.s32 $_tile_overlayer_lowered  }
0x9b: {  	s22 =	simm.s32 $0x1BFF;
	s21 =	sshll.u32 s5, $0x1;
	s2 =	sadd.s32 s19, s18  }
0x9c: {  	s6 =	simm.s32 $0x0;
	s20 =	sshll.u32 s4, $0x1;
	s4 =	sadd.s32 s21, s2  }
0x9d: {  	[timem:s6], [sflag:s22] =	dma.local [hbm:s4], s20  }
0x9e: {  	_ =	swait.ge [sflag:s22], s20  }
0x9f: {  	s3 =	ssub.s32 $0x0, s20;
	[sflag:s22] =	ssyncset.done $0x0  }
0xa0: {  	[sflag:s22] =	ssyncadd.s32 s3;
	_ =	sdelay $0x1  }
0xa1: {  	s23 =	simm.s32 $0x1B8B  }
0xa2: {  	_ =	swait.ge [sflag:s23], $0x1  }
0xa3: {  	[sflag:s23] =	ssyncset.done $0x0  }
0xa4: {  	s25 =	simm.s32 $0x1B8E;
	s24 =	sld [smem:$0x3FFE];
	[sflag:s23] =	ssyncadd.s32 $0xFFFFFFFF  }
0xa5: {  	s26 =	simm.s32 $execute0_lowered;
	[smem:$0x3FD2] =	sst s25  }
0xa6: {  	s4 =	sshll.u32 s26, $0x1;
	_ =	strace $0x80000046;
	[dreg:$0x1] =	wrdreg $0xFFFFFFFF  }
0xa7: {  	s28 =	simm.s32 $_size_execute0_lowered;
	s2 =	sadd.s32 s2, s4;
	[dreg:$0x0] =	wrdreg $0x0  }
0xa8: {  	s4 =	sshll.u32 s28, $0x1;
	[dreg:$0x2] =	wrdreg s2  }
0xa9: {  	[dreg:$0x3] =	wrdreg s4  }
0xaa: {  	[dreg:$0x4] =	wrdreg $0xC0  }
0xab: {  	_ =	task [dreg:s6], $0x5FFFF  }
0xac: {  	[dreg:$0x1] =	wrdreg $0xFFFFFFFF  }
0xad: {  	[dreg:$0x0] =	wrdreg $0x60  }
0xae: {  	[dreg:$0x2] =	wrdreg s24  }
0xaf: {  	[dreg:$0x3] =	wrdreg $0x9  }
0xb0: {  	_ =	task.clear_ibuf [dreg:s6], $0x4FFFF;
	_ =	strace $0x90000046  }
0xb1: {  	s29 =	simm.s32 $0x9;
	_ =	strace $0x80000048  }
0xb2: {  	_ =	swait.ge [sflag:s29], $0x1  }
0xb3: {  	[sflag:s29] =	ssyncadd.s32 $0xFFFFFFFF  }
0xb4: {  	_ =	strace $0x90000048  }
0xb5: {  	_ =	sfence  }
0xb6: {  	s30 =	sld [smem:$0x0];
	_ =	sdelay $0x2  }
0xb7: {  	s31 =	sshll.u32 s1, $0xD;
	s1 =	sshrl.u32 s1, $0x2  }
0xb8: {  	s3 =	sand.u32 $0x4000, s31;
	s1 =	sadd.s32 s1, s30  }
0xb9: {  	s0 =	sor.u32 s3, s0;
	s1 =	sshll.u32 s1, $0x11  }
0xba: {  	s0 =	sor.u32 s1, s0  }
0xbb: {  	s0 =	sadd.s32 $0x8F2B, s0  }
0xbc: {  	[sflag:s0] =	ssyncadd.remote.s32 $0x1  }
0xbd: {  	_ =	sfence.sel $0xFFFF  }
0xbe: {  	[dreg:$0x0] =	wrdreg $0xFFFFFFFF;
	(pc) =	sbr.abs _section_cstart, $3  }
0xbf: {  	[dreg:$0x1] =	wrdreg $0xFFFFFFFF  }
0xc0: {  	_ =	task.clear_ibuf [dreg:s6], $0x2FFFF;
	_ =	strace $0x9FFFFFFF  }
0xc1: {  	(tm) =	ssettm $0x7FFFFFFF  }
tec
execute0_lowered:
.L_overlay_start_1:
0x0: {  	(tag) =	ssettag $0x1  }
0x1: {  	s1 =	srdreg.scid;
	s0 =	stileid.u32  }
0x2: {  	s6 =	rddreg [dreg:$0x0];
	s2 =	simm.s32 $0x0;
	s12 =	simm.s32 $0x6400  }
0x3: {  	s13 =	simm.s32 $0x1;
	s14 =	simm.s32 $0x40;
	s15 =	simm.s32 $0x80  }
0x4: {  	s16 =	simm.s32 $0x10400;
	s17 =	simm.s32 $0x2;
	s18 =	simm.s32 $0x3  }
0x5: {  	s4 =	sand.u32 $0x1, s1;
	s29 =	sshll.u32 s0, $0x1;
	s8 =	smul.u32 $0xC800, s0  }
0x6: {  	s5 =	sor.u32 s4, s29;
	s9 =	ssub.s32 $0x2, s4;
	s4 =	smul.u32 $0x6400, s4  }
0x7: {  	s19 =	simm.s32 $0x4;
	s1 =	rddreg [dreg:$0x1];
	s3 =	smul.u32 $0x6400, s5  }
0x8: {  	s20 =	simm.s32 $0x0;
	[smem:$0x7FF] =	sst s2;
	s11 =	smul.u32 $0x320000, s5  }
0x9: {  	_ =	strace $0x80000047;
	s10 =	sshrl.u32 s9, $0x1;
	s5 =	smul.u32 $0x64000, s5  }
0xa: {  	s9 =	ssub.s32 s9, s10;
	s8 =	sadd.s32 s4, s8;
	s10 =	simm.s32 $0x5  }
0xb: {  	s3 =	sshrl.u32 s3, $0x3;
	s30 =	sshrl.u32 s11, $0x3;
	s8 =	sshll.u32 s8, $0x4  }
0xc: {  	s7 =	sadd.s32 s3, s6;
	s3 =	sadd.s32 $0x19800, s6;
	s6 =	sadd.s32 $0xDEE00, s6  }
0xd: {  	s11 =	simm.s32 $0x280;
	s4 =	sadd.s32 $0x800, s7;
	s7 =	sadd.s32 s6, s30  }
0xe: {  	s5 =	sadd.s32 s6, s5;
	s31 =	sadd.s32 s6, s8;
	s6 =	sadd.s32 $0x61800, s7  }
0xf: {  	s7 =	smax.u32 s9, $0x1;
	s8 =	sadd.s32 $0x2800, s31;
	s9 =	sadd.s32 $0x5000, s31  }
.LBB2_1:
0x10: {  	[tilespmem:s2], [sflag:$0x5] =	stream.linear.gather [hbm4b:s4+s2], $0x6400, $0x38;
	[tilespmem:$0x1A400] =	vst v63  }
0x11: {  	_ =	swait.ge [sflag:s10], $0x6400  }
0x12: {  	[sflag:s10] =	ssyncset.done $0x0  }
0x13: {  	[sflag:s10] =	ssyncadd.s32 $0xFFFF9C00  }
0x14: {  	[tilespmem:s12], [sflag:$0x1] =	stream.indirect.gather [hbm4b:s3+s11], $0x40, s2, s11, $0xb8;
	[tilespmem:$0x1A400] =	vst v63  }
0x15: {  	_ =	swait.ge [sflag:s13], $0xA000  }
0x16: {  	[sflag:s13] =	ssyncset.done $0x0  }
0x17: {  	[sflag:s13] =	ssyncadd.s32 $0xFFFF6000  }
0x18: {  	[hbm4b:s5+s14] =	stream.strided.scatter [tilespmem:s12], [sflag:$0x3], $0xA000, s15, s14, $0x38;
	[tilespmem:$0x1A400] =	vst v63  }
0x19: {  	_ = 	snop  }
0x1a: {  	[tilespmem:s16], [sflag:$0x2] =	stream.indirect.gather [hbm4b:s3+s11], $0x40, s11, s11, $0xb8;
	[tilespmem:$0x1A400] =	vst v63  }
0x1b: {  	_ =	swait.ge [sflag:s17], $0xA000  }
0x1c: {  	[sflag:s17] =	ssyncset.done $0x0  }
0x1d: {  	s21 =	sadd.s32 $0x0, s8;
	[sflag:s17] =	ssyncadd.s32 $0xFFFF6000  }
0x1e: {  	[hbm4b:s21+s14] =	stream.strided.scatter [tilespmem:s16], [sflag:$0x4], $0xA000, s15, s14, $0x38;
	[tilespmem:$0x1A400] =	vst v63  }
0x1f: {  	_ =	swait.ge [sflag:s18], $0xA000  }
0x20: {  	[sflag:s18] =	ssyncset.done $0x0  }
0x21: {  	s30 =	simm.s32 $0x500;
	[sflag:s18] =	ssyncadd.s32 $0xFFFF6000  }
0x22: {  	[tilespmem:s12], [sflag:$0x1] =	stream.indirect.gather [hbm4b:s3+s11], $0x40, s30, s11, $0xb8;
	[tilespmem:$0x1A400] =	vst v63  }
0x23: {  	_ =	swait.ge [sflag:s13], $0xA000  }
0x24: {  	[sflag:s13] =	ssyncset.done $0x0  }
0x25: {  	s31 =	sadd.s32 $0x0, s9;
	[sflag:s13] =	ssyncadd.s32 $0xFFFF6000  }
0x26: {  	[hbm4b:s31+s14] =	stream.strided.scatter [tilespmem:s12], [sflag:$0x3], $0xA000, s15, s14, $0x38;
	[tilespmem:$0x1A400] =	vst v63  }
0x27: {  	_ =	swait.ge [sflag:s19], $0xA000  }
0x28: {  	s22 =	simm.s32 $0x5000;
	[sflag:s19] =	ssyncset.done $0x0  }
0x29: {  	s23 =	simm.s32 $0xC80;
	s21 =	simm.s32 $0x780;
	[sflag:s19] =	ssyncadd.s32 $0xFFFF6000  }
.LBB2_2:
0x2a: {  	[tilespmem:s16], [sflag:$0x2] =	stream.indirect.gather [hbm4b:s3+s11], $0x40, s21, s11, $0xb8;
	[tilespmem:$0x1A400] =	vst v63  }
0x2b: {  	s24 =	smov.u32 s22;
	s21 =	smov.u32 s23  }
0x2c: {  	p0 =	sne.s32 s22, $0x5A000;
	s22 =	sadd.s32 $0x5000, s22;
	_ =	swait.ge [sflag:s17], $0xA000  }
0x2d: {  	[sflag:s17] =	ssyncset.done $0x0  }
0x2e: {  	s25 =	sadd.s32 s24, s8;
	[sflag:s17] =	ssyncadd.s32 $0xFFFF6000  }
0x2f: {  	[hbm4b:s25+s14] =	stream.strided.scatter [tilespmem:s16], [sflag:$0x4], $0xA000, s15, s14, $0x38;
	[tilespmem:$0x1A400] =	vst v63  }
0x30: {  	_ =	swait.ge [sflag:s18], $0xA000  }
0x31: {  	[sflag:s18] =	ssyncset.done $0x0  }
0x32: {  	s25 =	sadd.s32 $0xFFFFFD80, s23;
	[sflag:s18] =	ssyncadd.s32 $0xFFFF6000  }
0x33: {  	[tilespmem:s12], [sflag:$0x1] =	stream.indirect.gather [hbm4b:s3+s11], $0x40, s25, s11, $0xb8;
	[tilespmem:$0x1A400] =	vst v63  }
0x34: {  	_ =	swait.ge [sflag:s13], $0xA000  }
0x35: {  	[sflag:s13] =	ssyncset.done $0x0  }
.Ltmp0:
0x36: {  	s24 =	sadd.s32 s24, s9;
	[sflag:s13] =	ssyncadd.s32 $0xFFFF6000;
	(pc) =	sbr.rel @p0 .LBB2_2-.Ltmp0, $4  }
0x37: {  	[hbm4b:s24+s14] =	stream.strided.scatter [tilespmem:s12], [sflag:$0x3], $0xA000, s15, s14, $0x38;
	[tilespmem:$0x1A400] =	vst v63  }
0x38: {  	_ =	swait.ge [sflag:s19], $0xA000  }
0x39: {  	[sflag:s19] =	ssyncset.done $0x0  }
0x3a: {  	s23 =	sadd.s32 $0x500, s23;
	[sflag:s19] =	ssyncadd.s32 $0xFFFF6000  }
0x3b: {  	[tilespmem:s16], [sflag:$0x2] =	stream.indirect.gather [hbm4b:s3+s11], $0x40, s21, s11, $0xb8;
	[tilespmem:$0x1A400] =	vst v63  }
0x3c: {  	_ =	swait.ge [sflag:s17], $0xA000  }
0x3d: {  	[sflag:s17] =	ssyncset.done $0x0  }
0x3e: {  	s20 =	sadd.s32 $0x1, s20;
	[sflag:s17] =	ssyncadd.s32 $0xFFFF6000  }
0x3f: {  	[hbm4b:s6+s14] =	stream.strided.scatter [tilespmem:s16], [sflag:$0x4], $0xA000, s15, s14, $0x38;
	[tilespmem:$0x1A400] =	vst v63  }
0x40: {  	p0 =	sne.s32 s20, s7;
	_ =	swait.ge [sflag:s18], $0xA000  }
.Ltmp1:
0x41: {  	[sflag:s18] =	ssyncset.done $0x0;
	(pc) =	sbr.rel @p0 .LBB2_1-.Ltmp1, $4  }
0x42: {  	[sflag:s18] =	ssyncadd.s32 $0xFFFF6000  }
0x43: {  	_ =	swait.ge [sflag:s19], $0xA000  }
0x44: {  	[sflag:s19] =	ssyncset.done $0x0  }
0x45: {  	[sflag:s19] =	ssyncadd.s32 $0xFFFF6000  }
0x46: {  	_ =	sfence.sel $0x180000  }
0x47: {  	[bflag:$0x0] =	sbarrier.arrive $0xFFFF  }
0x48: {  	p0 =	sne.s32 s0, $0x0;
	_ =	strace $0x90000047  }
0x49: {  	s0 =	sadd.s32 @!p0 $0x100000, s1;
	[bflag:$0x2] =	sbarrier.arrive $0xFFFF  }
0x4a: {  	[sflag:s0] =	ssyncadd.tile.s32 @!p0 $0x1;
	_ =	shalt  }
.Lfunc_end2:
_tile_overlayer_lowered:
.L_overlay_start_2:
0x4b: {  	(tag) =	ssettag $0x2  }
0x4c: {  	s0 =	rddreg [dreg:$0x0];
	s2 =	stileid.u32  }
0x4d: {  	s1 =	rddreg [dreg:$0x1];
	p0 =	sne.s32 s2, $0x0  }
0x4e: {  	s3 =	rddreg [dreg:$0x2];
	[bflag:$0x3] =	sbarrier.arrive $0xFFFF;
	s2 =	simm.s32 @!p0 $0x1C05  }
0x4f: {  	[timem:s3], [sflag:s2] =	dma.local @!p0 [hbm:s0], s1  }
0x50: {  	s0 =	simm.s32 @!p0 $0x5  }
0x51: {  	_ =	swait.ge @!p0 [sflag:s0], s1  }
0x52: {  	s1 =	ssub.s32 @!p0 $0x0, s1;
	[sflag:s0] =	ssyncset.done @!p0 $0x0  }
0x53: {  	[sflag:s0] =	ssyncadd.s32 @!p0 s1  }
0x54: {  	[bflag:$0x3] =	sbarrier.arrive $0xFFFF  }
0x55: {  	_ =	shalt  }

// kernel: sparse-core-data-format-call.cloned.1.call-start
scs
called_computation_lowered:
.L_overlay_start_0:
0x0: {  	s2 =	sld [smem:$0x3FD9]  }
0x1: {  	s3 =	sld [smem:$0x3FFE];
	_ =	sdelay $0x1  }
0x2: {  	s1 =	srdreg.scid  }
0x3: {  	s0 =	sand.u32 $0x1, s1  }
0x4: {  	s18 =	sshll.u32 s0, $0xA;
	s2 =	sadd.s32 s3, s2  }
0x5: {  	s2 =	sadd.s32 s2, s18  }
0x6: {  	[smem:$0x3FC5] =	sst s2  }
0x7: {  	_ = 	snop  }
0x8: {  	s2 =	sld [smem:$0x3FD0];
	(tm) =	ssettm $0x1  }
0x9: {  	s19 =	sld [smem:$0x3FFB];
	_ =	sdelay $0x3  }
0xa: {  	_ =	strace s19  }
0xb: {  	s3 =	sld [smem:$0x3FFC];
	_ =	sdelay $0x3  }
0xc: {  	_ =	strace s3  }
0xd: {  	s3 =	sld [smem:$0x3FFD];
	_ =	sdelay $0x3  }
0xe: {  	_ =	strace s3  }
0xf: {  	_ =	strace $0x8FFFFFFF  }
0x10: {  	s20 =	sld [smem:$0x3FDB];
	_ =	sdelay $0x1  }
0x11: {  	s4 =	simm.s32 $_scs_section_size  }
0x12: {  	s5 =	simm.s32 $_size__tile_overlayer_lowered;
	s6 =	simm.s32 $_tile_overlayer_lowered  }
0x13: {  	s23 =	simm.s32 $0x1BFF;
	s22 =	sshll.u32 s6, $0x1;
	s3 =	sadd.s32 s4, s20  }
0x14: {  	s7 =	simm.s32 $0x0;
	s21 =	sshll.u32 s5, $0x1;
	s5 =	sadd.s32 s22, s3  }
0x15: {  	[timem:s7], [sflag:s23] =	dma.local [hbm:s5], s21  }
0x16: {  	_ =	swait.ge [sflag:s23], s21  }
0x17: {  	s4 =	ssub.s32 $0x0, s21;
	[sflag:s23] =	ssyncset.done $0x0  }
0x18: {  	[sflag:s23] =	ssyncadd.s32 s4;
	_ =	sdelay $0x1  }
0x19: {  	s24 =	simm.s32 $0x1B8B  }
0x1a: {  	_ =	swait.ge [sflag:s24], $0x1  }
0x1b: {  	[sflag:s24] =	ssyncset.done $0x0  }
0x1c: {  	s26 =	simm.s32 $0x1B8E;
	s25 =	sld [smem:$0x3FFE];
	[sflag:s24] =	ssyncadd.s32 $0xFFFFFFFF  }
0x1d: {  	s27 =	simm.s32 $execute0_lowered;
	[smem:$0x3FD2] =	sst s26  }
0x1e: {  	s5 =	sshll.u32 s27, $0x1;
	_ =	strace $0x80000049;
	[dreg:$0x1] =	wrdreg $0xFFFFFFFF  }
0x1f: {  	s28 =	simm.s32 $_size_execute0_lowered;
	s3 =	sadd.s32 s3, s5;
	[dreg:$0x0] =	wrdreg $0x0  }
0x20: {  	s5 =	sshll.u32 s28, $0x1;
	[dreg:$0x2] =	wrdreg s3  }
0x21: {  	[dreg:$0x3] =	wrdreg s5  }
0x22: {  	[dreg:$0x4] =	wrdreg $0xC0  }
0x23: {  	_ =	task [dreg:s7], $0x5FFFF  }
0x24: {  	[dreg:$0x1] =	wrdreg $0xFFFFFFFF  }
0x25: {  	[dreg:$0x0] =	wrdreg $0x60  }
0x26: {  	[dreg:$0x2] =	wrdreg s25  }
0x27: {  	[dreg:$0x3] =	wrdreg s2  }
0x28: {  	[dreg:$0x4] =	wrdreg $0x9  }
0x29: {  	_ =	task.clear_ibuf [dreg:s7], $0x5FFFF;
	_ =	strace $0x90000049  }
0x2a: {  	s29 =	simm.s32 $0x9;
	_ =	strace $0x8000004B  }
0x2b: {  	_ =	swait.ge [sflag:s29], $0x1  }
0x2c: {  	[sflag:s29] =	ssyncadd.s32 $0xFFFFFFFF  }
0x2d: {  	_ =	strace $0x9000004B  }
0x2e: {  	_ =	sfence  }
0x2f: {  	s30 =	sld [smem:$0x0];
	_ =	sdelay $0x2  }
0x30: {  	s31 =	sshll.u32 s1, $0xD;
	s1 =	sshrl.u32 s1, $0x2  }
0x31: {  	s3 =	sand.u32 $0x4000, s31;
	s1 =	sadd.s32 s1, s30  }
0x32: {  	s0 =	sor.u32 s3, s0;
	s1 =	sshll.u32 s1, $0x11  }
0x33: {  	s0 =	sor.u32 s1, s0  }
0x34: {  	s0 =	sadd.s32 $0x8F2B, s0  }
0x35: {  	[sflag:s0] =	ssyncadd.remote.s32 $0x1  }
0x36: {  	_ =	sfence.sel $0xFFFF  }
0x37: {  	[dreg:$0x0] =	wrdreg $0xFFFFFFFF;
	(pc) =	sbr.abs _section_cstart, $3  }
0x38: {  	[dreg:$0x1] =	wrdreg $0xFFFFFFFF  }
0x39: {  	_ =	task.clear_ibuf [dreg:s7], $0x2FFFF;
	_ =	strace $0x9FFFFFFF  }
0x3a: {  	(tm) =	ssettm $0x7FFFFFFF  }
0x3b: {  	_ =	shalt  }
tec
execute0_lowered:
.L_overlay_start_1:
0x0: {  	(tag) =	ssettag $0x1  }
0x1: {  	s0 =	srdreg.scid  }
0x2: {  	s1 =	sshll.u32 s0, $0x4  }
0x3: {  	s0 =	stileid.u32;
	s1 =	sand.u32 $0x10, s1  }
0x4: {  	s1 =	sor.u32 s0, s1  }
0x5: {  	s6 =	rddreg [dreg:$0x0];
	s4 =	simm.s32 $0x1;
	s2 =	sshll.u32 s1, $0x7  }
0x6: {  	s7 =	simm.s32 $0x2;
	s12 =	simm.s32 $0x0;
	s1 =	ssub.s32 $0x1000, s2  }
0x7: {  	s8 =	simm.s32 $0x8000;
	s13 =	simm.s32 $0x0;
	s3 =	sand.u32 $0xF80, s1  }
0x8: {  	s9 =	simm.s32 $0x0;
	s5 =	sshrl.u32 s1, $0xC;
	p0 =	sne.s32 s3, $0x0  }
.Ltmp0:
0x9: {  	s1 =	rddreg [dreg:$0x2];
	s4 =	simm.s32 @!p0 $0x0;
	(pc) =	sbr.rel .LBB1_1-.Ltmp0, $4  }
0xa: {  	s11 =	simm.s32 $0x0;
	s3 =	rddreg [dreg:$0x1];
	s5 =	sadd.s32 s4, s5  }
0xb: {  	_ =	strace $0x8000004A;
	s4 =	simm.s32 $0x1;
	s5 =	smul.u32 $0xC8, s5  }
0xc: {  	s6 =	sadd.s32 $0xDEE00, s6;
	s10 =	smov.u32 s2;
	[sflag:s4] =	ssyncpa.u1 $0x0  }
0xd: {  	p0 =	por $0x0, $0x0;
	[sflag:s7] =	ssyncpa.u1 $0x0;
	s7 =	sor.u32 $0x1, s5  }
.LBB1_4:
0xe: {  	s16 =	sshll.u32 s13, $0x3;
	s17 =	sand.u32 $0x78, s13  }
0xf: {  	s30 =	sand.u32 $0x7E00, s13;
	s12 =	sshll.u32 s12, $0xF;
	s16 =	sand.u32 $0xC00, s16  }
0x10: {  	[tilespmem:s15+$0x810 ss:$0x81] =	vst.msk $0xffff, v2;
	s31 =	sand.u32 $0x7, s13;
	s16 =	sor.u32 s17, s16;
	s17 =	sadd.s32 s3, s30  }
0x11: {  	[tilespmem:s15+$0x1020 ss:$0x81] =	vst.msk $0xffff, v0;
	s13 =	sshll.u32 s31, $0x12;
	s12 =	sadd.s32 s12, s17;
	s16 =	sshrl.u32 s16, $0x3  }
0x12: {  	[tilespmem:s15+$0x0 ss:$0x81] =	vst.msk $0xffff, v1;
	s13 =	sor.u32 $0x400, s13;
	s12 =	sadd.s32 s16, s12  }
0x13: {  	[hbm4b:s12+s13] =	stream.strided.scatter [tilespmem:s14], [sflag:$0x2], $0x2000, s8, s13, $0x20;
	[tilespmem:$0x8080] =	vst v63  }
.LBB1_5:
0x14: {  	s14 =	sadd.s32 $0x1, s9  }
0x15: {  	s12 =	sadd.s32 $0x1000, s10;
	s16 =	smov.u32 s10;
	p2 =	sgt.s32 s14, $0xC7  }
0x16: {  	s16 =	smov.u32 @p2 s12  }
0x17: {  	s14 =	simm.s32 @p2 $0x0;
	p2 =	sgt.s32 s16, $0xFFF  }
0x18: {  	s16 =	smov.u32 @p2 s2;
	p2 =	sne.s32 s11, s7  }
.Ltmp1:
0x19: {  	p1 =	slt.u32 s11, $0x2;
	(pc) =	sbr.rel @!p2 .LBB1_6-.Ltmp1, $4  }
0x1a: {  	s15 =	simm.s32 @!p1 $0x2  }
0x1b: {  	s13 =	smov.u32 s10;
	p0 =	por !p0, !p0;
	_ =	swait.ge @!p1 [sflag:s15], $0x2000  }
0x1c: {  	s12 =	smov.u32 s9;
	[sflag:s15] =	ssyncset.done @!p1 $0x0;
	s9 =	smov.u32 s14  }
0x1d: {  	s11 =	sadd.s32 $0x1, s11;
	[sflag:s15] =	ssyncadd.s32 @!p1 $0xFFFFE000;
	s10 =	smov.u32 s16  }
.LBB1_1:
0x1e: {  	p1 =	sge.u32 s11, s5  }
0x1f: {  	s14 =	sand.u32 @!p1 $0x1FFFFFF, s9  }
0x20: {  	s15 =	smulhi.u32 @!p1 $0x147AE15, s14;
	_ =	sdelay $0x1  }
0x21: {  	s15 =	smul.u32 @!p1 $0xC8, s15  }
0x22: {  	s16 =	sxor.u32 @!p1 $0xFFFFFFFF, s11;
	s17 =	smul.u32 @!p1 $0xC80, s10  }
0x23: {  	s31 =	sadd.s32 $0xFFFFFFFF, s11;
	s16 =	sshll.u32 @!p1 s16, $0xD;
	s14 =	ssub.s32 @!p1 s14, s15  }
0x24: {  	s15 =	sand.u32 @!p1 $0x2000, s16;
	s16 =	sadd.s32 @!p1 s6, s17;
	s14 =	sshll.u32 @!p1 s14, $0x4  }
0x25: {  	s17 =	simm.s32 @!p1 $0x6400;
	s14 =	sadd.s32 @!p1 s14, s16;
	s16 =	simm.s32 @!p1 $0x40  }
0x26: {  	[tilespmem:s15], [sflag:$0x1] =	stream.strided.gather @!p1 [hbm4b:s14+s16], $0x2000, s17, s16, $0x38;
	[tilespmem:$0x8080] =	vst v63  }
0x27: {  	p1 =	sge.u32 s31, s5  }
.Ltmp2:
0x28: {  	_ = 	snop;
	(pc) =	sbr.rel @p1 .LBB1_5-.Ltmp2, $1  }
0x29: {  	_ =	sdelay $0x3  }
0x2a: {  	s14 =	simm.s32 $0x1  }
0x2b: {  	_ =	swait.ge [sflag:s4], $0x2000;
	s14 =	simm.s32 @!p0 $0x0  }
0x2c: {  	[sflag:s4] =	ssyncset.done $0x0;
	s15 =	sshll.u32 s14, $0xD  }
0x2d: {  	[sflag:s4] =	ssyncadd.s32 $0xFFFFE000;
	s18 =	sor.u32 $0x20, s15  }
0x2e: {  	s14 =	smul.u32 $0x8100, s14;
	v3 =	vld [tilespmem:s18+$0x10]  }
0x2f: {  	s30 =	sand.u32 $0x1, s11;
	v2 =	vld [tilespmem:s18+$0xFFFFFFF0]  }
0x30: {  	s15 =	smul.u32 $0x8100, s30;
	s14 =	sshrl.u32 s14, $0x2;
	v0 =	vld [tilespmem:s18+$0x0]  }
0x31: {  	v1 =	vld [tilespmem:s18+$0xFFFFFFE0];
	s16 =	sor.u32 $0x4000, s14  }
0x32: {  	s31 =	sshrl.u32 s15, $0x2;
	s15 =	sadd.s32 $0x0, s16  }
0x33: {  	s17 =	simm.s32 $0x4;
	s18 =	sadd.s32 $0x40, s18;
	s14 =	sor.u32 $0x4000, s31;
	[tilespmem:s15+$0x1830 ss:$0x81] =	vst.msk $0xffff, v3  }
.LBB1_3:
0x34: {  	v3 =	vld [tilespmem:s18+$0x10];
	p1 =	sne.s32 s17, $0x1FC;
	[tilespmem:s15+$0x810 ss:$0x81] =	vst.msk $0xffff, v2;
	s19 =	smov.u32 s17;
	s17 =	sadd.s32 $0x4, s17  }
.Ltmp3:
0x35: {  	v2 =	vld [tilespmem:s18+$0xFFFFFFF0];
	[tilespmem:s15+$0x1020 ss:$0x81] =	vst.msk $0xffff, v0;
	(pc) =	sbr.rel @p1 .LBB1_3-.Ltmp3, $4  }
0x36: {  	v0 =	vld [tilespmem:s18+$0x0];
	[tilespmem:s15+$0x0 ss:$0x81] =	vst.msk $0xffff, v1  }
0x37: {  	s15 =	sshra.s32 s19, $0x2;
	v1 =	vld [tilespmem:s18+$0xFFFFFFE0]  }
0x38: {  	s15 =	sadd.s32 s15, s16  }
0x39: {  	s18 =	sadd.s32 $0x40, s18;
	[tilespmem:s15+$0x1830 ss:$0x81] =	vst.msk $0xffff, v3  }
.Ltmp4:
0x3a: {  	_ = 	snop;
	(pc) =	sbr.rel .LBB1_4-.Ltmp4, $1  }
0x3b: {  	_ =	sdelay $0x3  }
.LBB1_6:
0x3c: {  	_ =	sfence.sel $0x180000  }
0x3d: {  	s2 =	simm.s32 $0x1;
	[bflag:$0x0] =	sbarrier.arrive $0xFFFF  }
0x3e: {  	s31 =	simm.s32 $0x2;
	[sflag:s2] =	ssyncpa.u1 $0x1  }
0x3f: {  	[sflag:s31] =	ssyncpa.u1 $0x1  }
0x40: {  	p0 =	sne.s32 s0, $0x0;
	_ =	strace $0x9000004A  }
0x41: {  	s0 =	sadd.s32 @!p0 $0x100000, s1;
	[bflag:$0x2] =	sbarrier.arrive $0xFFFF  }
0x42: {  	[sflag:s0] =	ssyncadd.tile.s32 @!p0 $0x1;
	_ =	shalt  }
.Lfunc_end1:
_tile_overlayer_lowered:
.L_overlay_start_2:
0x43: {  	(tag) =	ssettag $0x2  }
0x44: {  	s0 =	rddreg [dreg:$0x0];
	s2 =	stileid.u32  }
0x45: {  	s1 =	rddreg [dreg:$0x1];
	p0 =	sne.s32 s2, $0x0  }
0x46: {  	s3 =	rddreg [dreg:$0x2];
	[bflag:$0x3] =	sbarrier.arrive $0xFFFF;
	s2 =	simm.s32 @!p0 $0x1C01  }
0x47: {  	[timem:s3], [sflag:s2] =	dma.local @!p0 [hbm:s0], s1  }
0x48: {  	s0 =	simm.s32 @!p0 $0x1  }
0x49: {  	_ =	swait.ge @!p0 [sflag:s0], s1  }
0x4a: {  	s1 =	ssub.s32 @!p0 $0x0, s1;
	[sflag:s0] =	ssyncset.done @!p0 $0x0  }
0x4b: {  	[sflag:s0] =	ssyncadd.s32 @!p0 s1  }
0x4c: {  	[bflag:$0x3] =	sbarrier.arrive $0xFFFF  }
0x4d: {  	_ =	shalt  }

</sc_bundles>
